<compile_context>
chip_gen: v7x
topology: tpu7x:2x2x1
jax: 0.10.2.dev20260603
libtpu: 0.0.44.dev20260713+nightly
codegen_flags: <defaults>
</compile_context>

<pallas_src>
import functools

import jax
import jax.numpy as jnp
from jax import lax
from jax.experimental import pallas as pl
from jax.experimental.pallas import tpu as pltpu
from jax.experimental.pallas import tpu_sc as plsc

_TARGET_CLASS = 1

_NC = 2
_NS = 16
_NW = _NC * _NS
_CH = 128
_BN = 256



def _make_sc_compact(n, d):
    seg_len = n // _NW
    ngrp = seg_len // 16
    mesh = plsc.VectorSubcoreMesh(core_axis_name="c", subcore_axis_name="s")

    @functools.partial(
        pl.kernel,
        out_type=[
            jax.ShapeDtypeStruct((n, d), jnp.float32),
            jax.ShapeDtypeStruct((_NW, 16), jnp.int32),
        ],
        mesh=mesh,
        compiler_params=pltpu.CompilerParams(needs_layout_passes=False),
        scratch_types=[
            pltpu.VMEM((seg_len,), jnp.int32),
            pltpu.VMEM((seg_len + 16,), jnp.int32),
            pltpu.VMEM((_CH, d), jnp.float32),
            pltpu.VMEM((16,), jnp.int32),
            pltpu.VMEM((16,), jnp.int32),
            pltpu.SemaphoreType.DMA,
        ],
    )
    def sc_compact(x_hbm, lab_hbm, xc_hbm, cnt_hbm, lab_v, cidx_v, rows_v,
                   cbuf_v, spill_v, sem):
        wid = lax.axis_index("s") * _NC + lax.axis_index("c")
        seg = wid * seg_len
        pltpu.sync_copy(lab_hbm.at[pl.ds(seg, seg_len)], lab_v)
        iota = lax.iota(jnp.int32, 16)

        def prefill(g, carry):
            cidx_v[pl.ds(g * 16, 16)] = jnp.broadcast_to(seg, (16,))
            return carry

        lax.fori_loop(0, ngrp + 1, prefill, 0)

        tgt16 = jnp.full((16,), _TARGET_CLASS, jnp.int32)
        sixteen16 = jnp.full((16,), 16, jnp.int32)

        def compact(g, cnt):
            lab16 = lab_v[pl.ds(g * 16, 16)]
            m = lab16 == tgt16
            idx16 = jnp.broadcast_to(seg + g * 16, (16,)) + iota
            key = jnp.where(m, iota, iota + sixteen16)
            _, vals = plsc.sort_key_val(key, idx16)
            cidx_v[pl.ds(cnt, 16)] = vals
            pc = plsc.all_reduce_population_count(m)
            return cnt + pc[0]

        cnt = lax.fori_loop(0, ngrp, compact, jnp.int32(0))

        nch = (cnt + _CH - 1) // _CH

        def chunk(k, carry):
            pltpu.async_copy(
                x_hbm.at[cidx_v.at[pl.ds(k * _CH, _CH)]], rows_v, sem).wait()
            pltpu.sync_copy(rows_v, xc_hbm.at[pl.ds(seg + k * _CH, _CH)])
            return carry

        lax.fori_loop(0, nch, chunk, 0)

        cbuf_v[...] = jnp.broadcast_to(cnt, (16,))
        pltpu.sync_copy(cbuf_v, cnt_hbm.at[wid])

    return sc_compact



def _tc_body(cnt_ref, x_ref, c_ref, out_ref, acc_ref, inv_ref, *, bn, nw, d):
    w = pl.program_id(0)
    j = pl.program_id(1)
    nj = pl.num_programs(1)

    @pl.when((w == 0) & (j == 0))
    def _init():
        acc_ref[...] = jnp.zeros_like(acc_ref)
        c = c_ref[...]
        inv_n = lax.rsqrt(jnp.maximum(jnp.sum(c * c, axis=1), 1e-24))
        inv_ref[...] = inv_n[None, :]

    cnt_w = cnt_ref[w]

    @pl.when(j * bn < cnt_w)
    def _compute():
        x = x_ref[...][:, :d]
        c = c_ref[...]
        v = lax.dot_general(
            x, c, (((1,), (1,)), ((), ())),
            preferred_element_type=jnp.float32)
        s = v * inv_ref[...]
        ms = jnp.max(s, axis=1, keepdims=True)
        best_v = jnp.max(jnp.where(s >= ms, v, -jnp.inf), axis=1,
                         keepdims=True)
        m = jnp.max(v, axis=1, keepdims=True)
        lse = m + jnp.log(jnp.sum(jnp.exp(v - m), axis=1, keepdims=True))
        nll = lse - best_v
        row = lax.broadcasted_iota(jnp.int32, (bn, 1), 0)
        valid = (j * bn + row) < cnt_w
        acc_ref[...] += jnp.where(valid, nll, 0.0)

    @pl.when((w == nw - 1) & (j == nj - 1))
    def _fin():
        total = jnp.int32(0)
        for ww in range(nw):
            total = total + cnt_ref[ww]
        tot_s = jnp.sum(acc_ref[...], axis=(0, 1), keepdims=True)
        out_ref[...] = tot_s / total.astype(jnp.float32)


def _tc_loss(xc, counts, centers, *, nw, bn):
    n, dpad = xc.shape
    c, d = centers.shape
    seg_len = n // nw
    nj = seg_len // bn

    def xmap(w, j, cnt_ref):
        nb = jnp.maximum((cnt_ref[w] + bn - 1) // bn, 1)
        return (w * nj + jnp.minimum(j, nb - 1), 0)

    njd = jnp.maximum((jnp.max(counts) + bn - 1) // bn, 1).astype(jnp.int32)
    grid_spec = pltpu.PrefetchScalarGridSpec(
        num_scalar_prefetch=1,
        grid=(nw, njd),
        in_specs=[
            pl.BlockSpec((bn, dpad), xmap),
            pl.BlockSpec((c, d), lambda w, j, cnt_ref: (0, 0)),
        ],
        out_specs=pl.BlockSpec((1, 1), lambda w, j, cnt_ref: (0, 0)),
        scratch_shapes=[
            pltpu.VMEM((bn, 1), jnp.float32),
            pltpu.VMEM((1, c), jnp.float32),
        ],
    )
    out = pl.pallas_call(
        functools.partial(_tc_body, bn=bn, nw=nw, d=d),
        grid_spec=grid_spec,
        out_shape=jax.ShapeDtypeStruct((1, 1), jnp.float32),
        compiler_params=pltpu.CompilerParams(
            dimension_semantics=("arbitrary", "arbitrary")),
    )(counts, xc, centers)
    return out[0, 0]


@jax.jit
def _multi_center_loss(x_feature, train_label, centers):
    n, d = x_feature.shape
    dpad = 128
    xp = jnp.pad(x_feature, ((0, 0), (0, dpad - d)))
    xc, counts2d = _make_sc_compact(n, dpad)(
        xp, train_label.astype(jnp.int32))
    return _tc_loss(xc, counts2d[:, 0], centers, nw=_NW, bn=_BN)


def kernel(x_feature, train_label, centers):
    return _multi_center_loss(x_feature, train_label, centers)

# --- scband reference (transcript-rebuilt; emitter-appended) ---
"""Pipeline reference for scband-multi-center-loss-89043261980793 (READ-ONLY COPY).

The authoritative reference and input builder live on the scoring server;
editing this copy changes nothing except your own understanding.
"""

import jax, jax.numpy as jnp
import numpy as np

TARGET_CLASS = 1
NUM_CENTERS = 8192
CODE_DIM = 64
N = 65536
NUM_CLASSES = 10


def _normalize(v, axis=-1, eps=1e-12):
    n = jnp.linalg.norm(v, ord=2, axis=axis, keepdims=True)
    return v / jnp.maximum(n, eps)


def setup_inputs(seed: int = 0) -> dict:
    key = jax.random.key(seed)
    k1, k2, k3 = jax.random.split(key, 3)
    x_feature = jax.random.normal(k1, (N, CODE_DIM), dtype=jnp.float32)
    train_label = jax.random.randint(k2, (N,), 0, NUM_CLASSES, dtype=jnp.int64) if jax.config.jax_enable_x64 else jax.random.randint(k2, (N,), 0, NUM_CLASSES, dtype=jnp.int32)
    centers = jax.random.normal(k3, (NUM_CENTERS, CODE_DIM), dtype=jnp.float32) * 0.02
    return {"x_feature": x_feature, "train_label": train_label, "centers": centers}


def reference(x_feature, train_label, centers):
    mask = train_label == TARGET_CLASS
    # assign_new_labels (no grad in original; pure int output here)
    xf_n = _normalize(x_feature, axis=-1)
    c_n = _normalize(centers, axis=-1)
    cosine_similarity = jnp.matmul(xf_n, c_n.T)
    cosine_distance = 1.0 - cosine_similarity
    new_labels = jnp.argmin(cosine_distance, axis=1)
    # F.linear(target_features, centers) == target_features @ centers.T
    new_logits = jnp.matmul(x_feature, centers.T)
    logp = jax.nn.log_softmax(new_logits, axis=-1)
    nll = -jnp.take_along_axis(logp, new_labels[:, None], axis=1)[:, 0]
    maskf = mask.astype(nll.dtype)
    loss = jnp.sum(nll * maskf) / jnp.sum(maskf)
    return loss

if __name__ == "__main__":
    import jax
    _d = setup_inputs()
    print(jax.jit(kernel)(*tuple(_d.values())))

</pallas_src>

<mosaic_0001>
#map = affine_map<(d0, d1) -> (0, 0)>
#map1 = affine_map<(d0, d1) -> (0)>
module attributes {stable_mosaic.version = 14 : i64} {
  func.func @sc_compact(%arg0: i32, %arg1: i32, %arg2: memref<65536x128xf32, #tpu.memory_space<hbm>>, %arg3: memref<65536xi32, #tpu.memory_space<hbm>>, %arg4: memref<65536x128xf32, #tpu.memory_space<hbm>>, %arg5: memref<32x16xi32, #tpu.memory_space<hbm>>, %arg6: memref<2048xi32, #tpu.memory_space<vmem>>, %arg7: memref<2064xi32, #tpu.memory_space<vmem>>, %arg8: memref<128x128xf32, #tpu.memory_space<vmem>>, %arg9: memref<16xi32, #tpu.memory_space<vmem>>, %arg10: memref<16xi32, #tpu.memory_space<vmem>>, %arg11: memref<!tpu.dma_semaphore, #tpu.memory_space<semaphore_mem>>) attributes {dimension_semantics = [#tpu.dimension_semantics<core_parallel>, #tpu.dimension_semantics<subcore_parallel>], iteration_bounds = array<i64: 2, 16>, scalar_prefetch = 0 : i64, scratch_operands = 6 : i64, tpu.core_type = #tpu.core_type<sc_vector_subcore>, window_params = [{transform_indices = #map}, {transform_indices = #map1}, {transform_indices = #map}, {transform_indices = #map}]} {
    %mul3A = arith.constant 2 : i32
    %mul3A_0 = arith.muli %arg1, %mul3A : i32
    %add3A = arith.addi %mul3A_0, %arg0 : i32
    %mul3A_1 = arith.constant 2048 : i32
    %mul3A_2 = arith.muli %add3A, %mul3A_1 : i32
    "tpu.region"() ({
      %run_scoped3A = tpu.sem_alloc : memref<!tpu.dma_semaphore, #tpu.memory_space<semaphore_mem>>
      %dma_start3A = tpu.memref_slice %arg3[%mul3A_2] : memref<65536xi32, #tpu.memory_space<hbm>> -> memref<2048xi32, #tpu.memory_space<hbm>>
      %dma_start3A_49 = tpu.memref_slice %arg3[%mul3A_2] : memref<65536xi32, #tpu.memory_space<hbm>> -> memref<2048xi32, #tpu.memory_space<hbm>>
      tpu.enqueue_dma source(%dma_start3A_49 : memref<2048xi32, #tpu.memory_space<hbm>>) target(%arg6 : memref<2048xi32, #tpu.memory_space<vmem>>) target_semaphore(%run_scoped3A : memref<!tpu.dma_semaphore, #tpu.memory_space<semaphore_mem>>)
      %dma_wait3A = tpu.memref_slice %arg3[%mul3A_2] : memref<65536xi32, #tpu.memory_space<hbm>> -> memref<2048xi32, #tpu.memory_space<hbm>>
      %dma_wait3A_50 = tpu.memref_slice %arg3[%mul3A_2] : memref<65536xi32, #tpu.memory_space<hbm>> -> memref<2048xi32, #tpu.memory_space<hbm>>
      tpu.wait_dma2 semaphore(%run_scoped3A : memref<!tpu.dma_semaphore, #tpu.memory_space<semaphore_mem>>) src(%dma_wait3A_50 : memref<2048xi32, #tpu.memory_space<hbm>>) dst(%arg6 : memref<2048xi32, #tpu.memory_space<vmem>>)
      tpu.yield
    }) : () -> ()
    %iota3A = tpu.iota {dimensions = array<i32: 0>} : vector<16xi32>
    %scan3A = arith.constant 0 : i32
    %scan3A_3 = arith.constant 0 : i32
    %scan3A_4 = arith.constant 129 : i32
    %scan3A_5 = arith.addi %scan3A_3, %scan3A_4 : i32
    %scan3A_6 = arith.constant 1 : i32
    scf.for %scan3A_49 = %scan3A_3 to %scan3A_5 step %scan3A_6  : i32 {
      %broadcast_in_dim3A_50 = vector.broadcast %mul3A_2 : i32 to vector<16xi32>
      %mul3A_51 = arith.constant 16 : i32
      %mul3A_52 = arith.muli %scan3A_49, %mul3A_51 : i32
      %swap3A_53 = arith.index_cast %mul3A_52 : i32 to index
      %swap3A_54 = tpu.vector_load %arg7[%swap3A_53] {strides = array<i32>} : memref<2064xi32, #tpu.memory_space<vmem>>, vector<16xi32>,
      tpu.vector_store %arg7[%swap3A_53], %broadcast_in_dim3A_50 {strides = array<i32>} : memref<2064xi32, #tpu.memory_space<vmem>>, vector<16xi32>,
    }
    %scan3A_7 = arith.constant 129 : i32
    %broadcast_in_dim3A = arith.constant 1 : i32
    %broadcast_in_dim3A_8 = vector.broadcast %broadcast_in_dim3A : i32 to vector<16xi32>
    %broadcast_in_dim3A_9 = arith.constant 16 : i32
    %broadcast_in_dim3A_10 = vector.broadcast %broadcast_in_dim3A_9 : i32 to vector<16xi32>
    %scan3A_11 = arith.constant 0 : i32
    %scan3A_12 = arith.constant 0 : i32
    %scan3A_13 = arith.constant 128 : i32
    %scan3A_14 = arith.addi %scan3A_12, %scan3A_13 : i32
    %scan3A_15 = arith.constant 1 : i32
    %scan3A_16 = scf.for %scan3A_49 = %scan3A_12 to %scan3A_14 step %scan3A_15 iter_args(%scan3A_50 = %scan3A_11) -> (i32)  : i32 {
      %mul3A_51 = arith.constant 16 : i32
      %mul3A_52 = arith.muli %scan3A_49, %mul3A_51 : i32
      %get3A = arith.index_cast %mul3A_52 : i32 to index
      %get3A_53 = tpu.vector_load %arg6[%get3A] {strides = array<i32>} : memref<2048xi32, #tpu.memory_space<vmem>>, vector<16xi32>,
      %eq3A = arith.cmpi eq, %get3A_53, %broadcast_in_dim3A_8 : vector<16xi32>
      %mul3A_54 = arith.constant 16 : i32
      %mul3A_55 = arith.muli %scan3A_49, %mul3A_54 : i32
      %add3A_56 = arith.addi %mul3A_2, %mul3A_55 : i32
      %broadcast_in_dim3A_57 = vector.broadcast %add3A_56 : i32 to vector<16xi32>
      %add3A_58 = arith.addi %broadcast_in_dim3A_57, %iota3A : vector<16xi32>
      %add3A_59 = arith.addi %iota3A, %broadcast_in_dim3A_10 : vector<16xi32>
      %select_n3A_60 = arith.select %eq3A, %iota3A, %add3A_59 : vector<16xi1>, vector<16xi32>
      %masked_sort3A = arith.constant dense<true> : vector<16xi1>
      %masked_sort3A_61 = arith.constant -2147483648 : i32
      %masked_sort3A_62 = vector.broadcast %masked_sort3A_61 : i32 to vector<16xi32>
      %masked_sort3A_63 = arith.xori %select_n3A_60, %masked_sort3A_62 : vector<16xi32>
      %masked_sort3A_64, %masked_sort3A_65, %masked_sort3A_66 = tpu.sort %masked_sort3A_63, %add3A_58 masked %masked_sort3A : (vector<16xi32>, vector<16xi32>, vector<16xi1>) -> (vector<16xi1>, vector<16xi32>, vector<16xi32>)
      %masked_sort3A_67 = arith.xori %masked_sort3A_65, %masked_sort3A_62 : vector<16xi32>
      %swap3A_68 = arith.index_cast %scan3A_50 : i32 to index
      %swap3A_69 = tpu.vector_load %arg7[%swap3A_68] {strides = array<i32>} : memref<2064xi32, #tpu.memory_space<vmem>>, vector<16xi32>,
      tpu.vector_store %arg7[%swap3A_68], %masked_sort3A_66 {strides = array<i32>} : memref<2064xi32, #tpu.memory_space<vmem>>, vector<16xi32>,
      %all_reduce_population_count3A = tpu.all_reduce %eq3A {dim = 0 : i64, kind = #tpu.reduction_kind<sum>} : vector<16xi1> -> vector<16xi32>
      %slice3A = vector.extract_strided_slice %all_reduce_population_count3A {offsets = [0], sizes = [1], strides = [1]} : vector<16xi32> to vector<1xi32>
      %squeeze3A = vector.extract %slice3A[0] : i32 from vector<1xi32>
      %add3A_70 = arith.addi %scan3A_50, %squeeze3A : i32
      scf.yield %add3A_70 : i32
    }
    %scan3A_17 = arith.constant 128 : i32
    %add3A_18 = arith.constant 128 : i32
    %add3A_19 = arith.addi %scan3A_16, %add3A_18 : i32
    %sub3A = arith.constant 1 : i32
    %sub3A_20 = arith.subi %add3A_19, %sub3A : i32
    %jit3A = arith.constant 128 : i32
    %div3A = arith.divsi %sub3A_20, %jit3A : i32
    %sign3A = arith.constant 0 : i32
    %sign3A_21 = arith.cmpi sgt, %sub3A_20, %sign3A : i32
    %sign3A_22 = arith.extui %sign3A_21 : i1 to i32
    %sign3A_23 = arith.constant 0 : i32
    %sign3A_24 = arith.cmpi slt, %sub3A_20, %sign3A_23 : i32
    %sign3A_25 = arith.extui %sign3A_24 : i1 to i32
    %sign3A_26 = arith.subi %sign3A_22, %sign3A_25 : i32
    %sign3A_27 = arith.constant 0 : i32
    %sign3A_28 = arith.cmpi sgt, %jit3A, %sign3A_27 : i32
    %sign3A_29 = arith.extui %sign3A_28 : i1 to i32
    %sign3A_30 = arith.constant 0 : i32
    %sign3A_31 = arith.cmpi slt, %jit3A, %sign3A_30 : i32
    %sign3A_32 = arith.extui %sign3A_31 : i1 to i32
    %sign3A_33 = arith.subi %sign3A_29, %sign3A_32 : i32
    %ne3A = arith.cmpi ne, %sign3A_26, %sign3A_33 : i32
    %rem3A = arith.remsi %sub3A_20, %jit3A : i32
    %ne3A_34 = arith.constant 0 : i32
    %ne3A_35 = arith.cmpi ne, %rem3A, %ne3A_34 : i32
    %and3A = arith.andi %ne3A, %ne3A_35 : i1
    %sub3A_36 = arith.constant 1 : i32
    %sub3A_37 = arith.subi %div3A, %sub3A_36 : i32
    %select_n3A = arith.select %and3A, %sub3A_37, %div3A : i32
    %while3A = arith.constant 0 : i32
    %while3A_38 = arith.constant 0 : i32
    %while3A_39 = arith.subi %select_n3A, %while3A_38 : i32
    %while3A_40 = arith.addi %while3A_38, %while3A_39 : i32
    %while3A_41 = arith.constant 1 : i32
    %while3A_42 = arith.divsi %while3A_39, %while3A_41 : i32
    %while3A_43 = arith.muli %while3A_42, %while3A_41 : i32
    %while3A_44 = arith.addi %while3A_38, %while3A_43 : i32
    %while3A_45 = arith.constant 1 : i32
    scf.for %while3A_49 = %while3A_38 to %while3A_44 step %while3A_45  : i32 {
      %mul3A_50 = arith.constant 128 : i32
      %mul3A_51 = arith.muli %while3A_49, %mul3A_50 : i32
      %dma_start3A = tpu.memref_slice %arg7[%mul3A_51] : memref<2064xi32, #tpu.memory_space<vmem>> -> memref<128xi32, #tpu.memory_space<vmem>>
      %dma_start3A_52 = arith.constant 0 : i32
      %dma_start3A_53 = arith.constant 0 : i32
      %dma_start3A_54 = tpu.memref_slice %arg2[%dma_start3A_52, %dma_start3A_53] : memref<65536x128xf32, #tpu.memory_space<hbm>> -> memref<65536x128xf32, #tpu.memory_space<hbm>>
      tpu.enqueue_indirect_dma source(%dma_start3A_54 : memref<65536x128xf32, #tpu.memory_space<hbm>>) target(%arg8 : memref<128x128xf32, #tpu.memory_space<vmem>>) offsets(%dma_start3A : memref<128xi32, #tpu.memory_space<vmem>>) semaphore(%arg11 : memref<!tpu.dma_semaphore, #tpu.memory_space<semaphore_mem>>)
      %dma_wait3A = tpu.memref_slice %arg7[%mul3A_51] : memref<2064xi32, #tpu.memory_space<vmem>> -> memref<128xi32, #tpu.memory_space<vmem>>
      %dma_wait3A_55 = arith.constant 0 : i32
      %dma_wait3A_56 = arith.constant 0 : i32
      %dma_wait3A_57 = tpu.memref_slice %arg2[%dma_wait3A_55, %dma_wait3A_56] : memref<65536x128xf32, #tpu.memory_space<hbm>> -> memref<65536x128xf32, #tpu.memory_space<hbm>>
      tpu.wait_indirect_dma semaphore(%arg11 : memref<!tpu.dma_semaphore, #tpu.memory_space<semaphore_mem>>) src(%dma_wait3A_57 : memref<65536x128xf32, #tpu.memory_space<hbm>>) dst(%arg8 : memref<128x128xf32, #tpu.memory_space<vmem>>)
      %mul3A_58 = arith.constant 128 : i32
      %mul3A_59 = arith.muli %while3A_49, %mul3A_58 : i32
      %add3A_60 = arith.addi %mul3A_2, %mul3A_59 : i32
      "tpu.region"() ({
        %run_scoped3A = tpu.sem_alloc : memref<!tpu.dma_semaphore, #tpu.memory_space<semaphore_mem>>
        %dma_start3A_61 = arith.constant 0 : i32
        %dma_start3A_62 = tpu.memref_slice %arg4[%add3A_60, %dma_start3A_61] : memref<65536x128xf32, #tpu.memory_space<hbm>> -> memref<128x128xf32, #tpu.memory_space<hbm>>
        %dma_start3A_63 = arith.constant 0 : i32
        %dma_start3A_64 = tpu.memref_slice %arg4[%add3A_60, %dma_start3A_63] : memref<65536x128xf32, #tpu.memory_space<hbm>> -> memref<128x128xf32, #tpu.memory_space<hbm>>
        tpu.enqueue_dma source(%arg8 : memref<128x128xf32, #tpu.memory_space<vmem>>) target(%dma_start3A_64 : memref<128x128xf32, #tpu.memory_space<hbm>>) target_semaphore(%run_scoped3A : memref<!tpu.dma_semaphore, #tpu.memory_space<semaphore_mem>>)
        %dma_wait3A_65 = arith.constant 0 : i32
        %dma_wait3A_66 = tpu.memref_slice %arg4[%add3A_60, %dma_wait3A_65] : memref<65536x128xf32, #tpu.memory_space<hbm>> -> memref<128x128xf32, #tpu.memory_space<hbm>>
        %dma_wait3A_67 = arith.constant 0 : i32
        %dma_wait3A_68 = tpu.memref_slice %arg4[%add3A_60, %dma_wait3A_67] : memref<65536x128xf32, #tpu.memory_space<hbm>> -> memref<128x128xf32, #tpu.memory_space<hbm>>
        tpu.wait_dma2 semaphore(%run_scoped3A : memref<!tpu.dma_semaphore, #tpu.memory_space<semaphore_mem>>) src(%arg8 : memref<128x128xf32, #tpu.memory_space<vmem>>) dst(%dma_wait3A_68 : memref<128x128xf32, #tpu.memory_space<hbm>>)
        tpu.yield
      }) : () -> ()
    }
    %while3A_46 = arith.constant 1 : i32
    scf.for %while3A_49 = %while3A_44 to %while3A_40 step %while3A_46  : i32 {
      %mul3A_50 = arith.constant 128 : i32
      %mul3A_51 = arith.muli %while3A_49, %mul3A_50 : i32
      %dma_start3A = tpu.memref_slice %arg7[%mul3A_51] : memref<2064xi32, #tpu.memory_space<vmem>> -> memref<128xi32, #tpu.memory_space<vmem>>
      %dma_start3A_52 = arith.constant 0 : i32
      %dma_start3A_53 = arith.constant 0 : i32
      %dma_start3A_54 = tpu.memref_slice %arg2[%dma_start3A_52, %dma_start3A_53] : memref<65536x128xf32, #tpu.memory_space<hbm>> -> memref<65536x128xf32, #tpu.memory_space<hbm>>
      tpu.enqueue_indirect_dma source(%dma_start3A_54 : memref<65536x128xf32, #tpu.memory_space<hbm>>) target(%arg8 : memref<128x128xf32, #tpu.memory_space<vmem>>) offsets(%dma_start3A : memref<128xi32, #tpu.memory_space<vmem>>) semaphore(%arg11 : memref<!tpu.dma_semaphore, #tpu.memory_space<semaphore_mem>>)
      %dma_wait3A = tpu.memref_slice %arg7[%mul3A_51] : memref<2064xi32, #tpu.memory_space<vmem>> -> memref<128xi32, #tpu.memory_space<vmem>>
      %dma_wait3A_55 = arith.constant 0 : i32
      %dma_wait3A_56 = arith.constant 0 : i32
      %dma_wait3A_57 = tpu.memref_slice %arg2[%dma_wait3A_55, %dma_wait3A_56] : memref<65536x128xf32, #tpu.memory_space<hbm>> -> memref<65536x128xf32, #tpu.memory_space<hbm>>
      tpu.wait_indirect_dma semaphore(%arg11 : memref<!tpu.dma_semaphore, #tpu.memory_space<semaphore_mem>>) src(%dma_wait3A_57 : memref<65536x128xf32, #tpu.memory_space<hbm>>) dst(%arg8 : memref<128x128xf32, #tpu.memory_space<vmem>>)
      %mul3A_58 = arith.constant 128 : i32
      %mul3A_59 = arith.muli %while3A_49, %mul3A_58 : i32
      %add3A_60 = arith.addi %mul3A_2, %mul3A_59 : i32
      "tpu.region"() ({
        %run_scoped3A = tpu.sem_alloc : memref<!tpu.dma_semaphore, #tpu.memory_space<semaphore_mem>>
        %dma_start3A_61 = arith.constant 0 : i32
        %dma_start3A_62 = tpu.memref_slice %arg4[%add3A_60, %dma_start3A_61] : memref<65536x128xf32, #tpu.memory_space<hbm>> -> memref<128x128xf32, #tpu.memory_space<hbm>>
        %dma_start3A_63 = arith.constant 0 : i32
        %dma_start3A_64 = tpu.memref_slice %arg4[%add3A_60, %dma_start3A_63] : memref<65536x128xf32, #tpu.memory_space<hbm>> -> memref<128x128xf32, #tpu.memory_space<hbm>>
        tpu.enqueue_dma source(%arg8 : memref<128x128xf32, #tpu.memory_space<vmem>>) target(%dma_start3A_64 : memref<128x128xf32, #tpu.memory_space<hbm>>) target_semaphore(%run_scoped3A : memref<!tpu.dma_semaphore, #tpu.memory_space<semaphore_mem>>)
        %dma_wait3A_65 = arith.constant 0 : i32
        %dma_wait3A_66 = tpu.memref_slice %arg4[%add3A_60, %dma_wait3A_65] : memref<65536x128xf32, #tpu.memory_space<hbm>> -> memref<128x128xf32, #tpu.memory_space<hbm>>
        %dma_wait3A_67 = arith.constant 0 : i32
        %dma_wait3A_68 = tpu.memref_slice %arg4[%add3A_60, %dma_wait3A_67] : memref<65536x128xf32, #tpu.memory_space<hbm>> -> memref<128x128xf32, #tpu.memory_space<hbm>>
        tpu.wait_dma2 semaphore(%run_scoped3A : memref<!tpu.dma_semaphore, #tpu.memory_space<semaphore_mem>>) src(%arg8 : memref<128x128xf32, #tpu.memory_space<vmem>>) dst(%dma_wait3A_68 : memref<128x128xf32, #tpu.memory_space<hbm>>)
        tpu.yield
      }) : () -> ()
    }
    %broadcast_in_dim3A_47 = vector.broadcast %scan3A_16 : i32 to vector<16xi32>
    %swap3A = arith.constant 0 : index
    %swap3A_48 = tpu.vector_load %arg9[%swap3A] {strides = array<i32>} : memref<16xi32, #tpu.memory_space<vmem>>, vector<16xi32>,
    tpu.vector_store %arg9[%swap3A], %broadcast_in_dim3A_47 {strides = array<i32>} : memref<16xi32, #tpu.memory_space<vmem>>, vector<16xi32>,
    "tpu.region"() ({
      %run_scoped3A = tpu.sem_alloc : memref<!tpu.dma_semaphore, #tpu.memory_space<semaphore_mem>>
      %dma_start3A = arith.constant 0 : i32
      %dma_start3A_49 = tpu.memref_slice %arg5[%add3A, %dma_start3A] : memref<32x16xi32, #tpu.memory_space<hbm>> -> memref<1x16xi32, #tpu.memory_space<hbm>>
      %dma_start3A_50 = tpu.memref_squeeze %dma_start3A_49 : memref<1x16xi32, #tpu.memory_space<hbm>> -> memref<16xi32, #tpu.memory_space<hbm>>
      %dma_start3A_51 = arith.constant 0 : i32
      %dma_start3A_52 = tpu.memref_slice %arg5[%add3A, %dma_start3A_51] : memref<32x16xi32, #tpu.memory_space<hbm>> -> memref<1x16xi32, #tpu.memory_space<hbm>>
      %dma_start3A_53 = tpu.memref_squeeze %dma_start3A_52 : memref<1x16xi32, #tpu.memory_space<hbm>> -> memref<16xi32, #tpu.memory_space<hbm>>
      tpu.enqueue_dma source(%arg9 : memref<16xi32, #tpu.memory_space<vmem>>) target(%dma_start3A_53 : memref<16xi32, #tpu.memory_space<hbm>>) target_semaphore(%run_scoped3A : memref<!tpu.dma_semaphore, #tpu.memory_space<semaphore_mem>>)
      %dma_wait3A = arith.constant 0 : i32
      %dma_wait3A_54 = tpu.memref_slice %arg5[%add3A, %dma_wait3A] : memref<32x16xi32, #tpu.memory_space<hbm>> -> memref<1x16xi32, #tpu.memory_space<hbm>>
      %dma_wait3A_55 = tpu.memref_squeeze %dma_wait3A_54 : memref<1x16xi32, #tpu.memory_space<hbm>> -> memref<16xi32, #tpu.memory_space<hbm>>
      %dma_wait3A_56 = arith.constant 0 : i32
      %dma_wait3A_57 = tpu.memref_slice %arg5[%add3A, %dma_wait3A_56] : memref<32x16xi32, #tpu.memory_space<hbm>> -> memref<1x16xi32, #tpu.memory_space<hbm>>
      %dma_wait3A_58 = tpu.memref_squeeze %dma_wait3A_57 : memref<1x16xi32, #tpu.memory_space<hbm>> -> memref<16xi32, #tpu.memory_space<hbm>>
      tpu.wait_dma2 semaphore(%run_scoped3A : memref<!tpu.dma_semaphore, #tpu.memory_space<semaphore_mem>>) src(%arg9 : memref<16xi32, #tpu.memory_space<vmem>>) dst(%dma_wait3A_58 : memref<16xi32, #tpu.memory_space<hbm>>)
      tpu.yield
    }) : () -> ()
    return
  }
}

module attributes {stable_mosaic.version = 14 : i64} {
  func.func @_tc_body(%arg0: i32, %arg1: i32, %arg2: memref<32xi32, #tpu.memory_space<smem>>, %arg3: memref<256x128xf32, #tpu.memory_space<vmem>>, %arg4: memref<8192x64xf32, #tpu.memory_space<vmem>>, %arg5: memref<1x1xf32, #tpu.memory_space<vmem>>, %arg6: memref<256x1xf32, #tpu.memory_space<vmem>>, %arg7: memref<1x8192xf32, #tpu.memory_space<vmem>>) attributes {dimension_semantics = [#tpu.dimension_semantics<arbitrary>, #tpu.dimension_semantics<arbitrary>], iteration_bounds = array<i64: 32, -9223372036854775808>, scalar_prefetch = 1 : i64, scratch_operands = 2 : i64, tpu.core_type = #tpu.core_type<tc>, window_params = [{transform_indices = @transform_0, window_bounds = array<i64: 256, 128>}, {pipeline_mode = #tpu.pipeline_mode<synchronous>, transform_indices = @transform_1, window_bounds = array<i64: 8192, 64>}, {pipeline_mode = #tpu.pipeline_mode<synchronous>, transform_indices = @transform_2, window_bounds = array<i64: 1, 1>}]} {
    %num_programs3A = tpu.iteration_bound 1 : i32
    %eq3A = arith.constant 0 : i32
    %eq3A_0 = arith.cmpi eq, %arg0, %eq3A : i32
    %eq3A_1 = arith.constant 0 : i32
    %eq3A_2 = arith.cmpi eq, %arg1, %eq3A_1 : i32
    %and3A = arith.andi %eq3A_0, %eq3A_2 : i1
    %convert_element_type3A = arith.extui %and3A : i1 to i32
    %cond3A = arith.constant 0 : i32
    %cond3A_3 = arith.cmpi ne, %convert_element_type3A, %cond3A : i32
    scf.if %cond3A_3 {
      %broadcast_in_dim3A = arith.constant 0.000000e+00 : f32
      %broadcast_in_dim3A_17 = vector.broadcast %broadcast_in_dim3A : f32 to vector<256x1xf32>
      %swap3A = arith.constant 0 : index
      %swap3A_18 = arith.constant 0 : index
      %swap3A_19 = vector.load %arg6[%swap3A, %swap3A_18] : memref<256x1xf32, #tpu.memory_space<vmem>>, vector<256x1xf32>
      tpu.vector_store %arg6[%swap3A, %swap3A_18], %broadcast_in_dim3A_17 {strides = array<i32>} : memref<256x1xf32, #tpu.memory_space<vmem>>, vector<256x1xf32>,
      %get3A_20 = arith.constant 0 : index
      %get3A_21 = arith.constant 0 : index
      %get3A_22 = vector.load %arg4[%get3A_20, %get3A_21] : memref<8192x64xf32, #tpu.memory_space<vmem>>, vector<8192x64xf32>
      %mul3A_23 = arith.mulf %get3A_22, %get3A_22 : vector<8192x64xf32>
      %reduce_sum3A = arith.constant dense<0.000000e+00> : vector<8192xf32>
      %reduce_sum3A_24 = vector.multi_reduction <add>, %mul3A_23, %reduce_sum3A [1] : vector<8192x64xf32> to vector<8192xf32>
      %max3A = arith.constant 1.000000e-24 : f32
      %max3A_25 = vector.broadcast %max3A : f32 to vector<8192xf32>
      %max3A_26 = arith.maximumf %reduce_sum3A_24, %max3A_25 : vector<8192xf32>
      %rsqrt3A = math.rsqrt %max3A_26 : vector<8192xf32>
      %broadcast_in_dim3A_27 = vector.shape_cast %rsqrt3A : vector<8192xf32> to vector<1x8192xf32>
      %swap3A_28 = arith.constant 0 : index
      %swap3A_29 = arith.constant 0 : index
      %swap3A_30 = vector.load %arg7[%swap3A_28, %swap3A_29] : memref<1x8192xf32, #tpu.memory_space<vmem>>, vector<1x8192xf32>
      tpu.vector_store %arg7[%swap3A_28, %swap3A_29], %broadcast_in_dim3A_27 {strides = array<i32>} : memref<1x8192xf32, #tpu.memory_space<vmem>>, vector<1x8192xf32>,
    } else {
    }
    %get3A = arith.index_cast %arg0 : i32 to index
    %get3A_4 = memref.load %arg2[%get3A] : memref<32xi32, #tpu.memory_space<smem>>
    %mul3A = arith.constant 256 : i32
    %mul3A_5 = arith.muli %arg1, %mul3A : i32
    %lt3A = arith.cmpi slt, %mul3A_5, %get3A_4 : i32
    %convert_element_type3A_6 = arith.extui %lt3A : i1 to i32
    %cond3A_7 = arith.constant 0 : i32
    %cond3A_8 = arith.cmpi ne, %convert_element_type3A_6, %cond3A_7 : i32
    scf.if %cond3A_8 {
      %get3A_17 = arith.constant 0 : index
      %get3A_18 = arith.constant 0 : index
      %get3A_19 = vector.load %arg3[%get3A_17, %get3A_18] : memref<256x128xf32, #tpu.memory_space<vmem>>, vector<256x128xf32>
      %slice3A = vector.extract_strided_slice %get3A_19 {offsets = [0, 0], sizes = [256, 64], strides = [1, 1]} : vector<256x128xf32> to vector<256x64xf32>
      %get3A_20 = arith.constant 0 : index
      %get3A_21 = arith.constant 0 : index
      %get3A_22 = vector.load %arg4[%get3A_20, %get3A_21] : memref<8192x64xf32, #tpu.memory_space<vmem>>, vector<8192x64xf32>
      %dot_general3A = arith.constant dense<0.000000e+00> : vector<256x8192xf32>
      %dot_general3A_23 = tpu.matmul %slice3A, %get3A_22, %dot_general3A {dimension_numbers = #tpu.dot_dimension_numbers<[1], [1], [0], [0], [0, 0, 1, 0], [], []>, transpose_lhs_hint = false} : vector<256x64xf32>, vector<8192x64xf32>, vector<256x8192xf32> -> vector<256x8192xf32>
      %get3A_24 = arith.constant 0 : index
      %get3A_25 = arith.constant 0 : index
      %get3A_26 = vector.load %arg7[%get3A_24, %get3A_25] : memref<1x8192xf32, #tpu.memory_space<vmem>>, vector<1x8192xf32>
      %mul3A_27 = vector.broadcast %get3A_26 : vector<1x8192xf32> to vector<256x8192xf32>
      %mul3A_28 = arith.mulf %dot_general3A_23, %mul3A_27 : vector<256x8192xf32>
      %reduce_max3A = arith.constant dense<0xFF800000> : vector<256xf32>
      %reduce_max3A_29 = vector.multi_reduction <maximumf>, %mul3A_28, %reduce_max3A [1] : vector<256x8192xf32> to vector<256xf32>
      %broadcast_in_dim3A = vector.shape_cast %reduce_max3A_29 : vector<256xf32> to vector<256x1xf32>
      %ge3A = vector.broadcast %broadcast_in_dim3A : vector<256x1xf32> to vector<256x8192xf32>
      %ge3A_30 = arith.cmpf oge, %mul3A_28, %ge3A : vector<256x8192xf32>
      %jit3A = arith.constant 0xFF800000 : f32
      %broadcast_in_dim3A_31 = vector.broadcast %jit3A : f32 to vector<256x8192xf32>
      %select_n3A = arith.select %ge3A_30, %dot_general3A_23, %broadcast_in_dim3A_31 : vector<256x8192xi1>, vector<256x8192xf32>
      %reduce_max3A_32 = arith.constant dense<0xFF800000> : vector<256xf32>
      %reduce_max3A_33 = vector.multi_reduction <maximumf>, %select_n3A, %reduce_max3A_32 [1] : vector<256x8192xf32> to vector<256xf32>
      %broadcast_in_dim3A_34 = vector.shape_cast %reduce_max3A_33 : vector<256xf32> to vector<256x1xf32>
      %reduce_max3A_35 = arith.constant dense<0xFF800000> : vector<256xf32>
      %reduce_max3A_36 = vector.multi_reduction <maximumf>, %dot_general3A_23, %reduce_max3A_35 [1] : vector<256x8192xf32> to vector<256xf32>
      %broadcast_in_dim3A_37 = vector.shape_cast %reduce_max3A_36 : vector<256xf32> to vector<256x1xf32>
      %sub3A_38 = vector.broadcast %broadcast_in_dim3A_37 : vector<256x1xf32> to vector<256x8192xf32>
      %sub3A_39 = arith.subf %dot_general3A_23, %sub3A_38 : vector<256x8192xf32>
      %exp3A = math.exp %sub3A_39 : vector<256x8192xf32>
      %reduce_sum3A = arith.constant dense<0.000000e+00> : vector<256xf32>
      %reduce_sum3A_40 = vector.multi_reduction <add>, %exp3A, %reduce_sum3A [1] : vector<256x8192xf32> to vector<256xf32>
      %broadcast_in_dim3A_41 = vector.shape_cast %reduce_sum3A_40 : vector<256xf32> to vector<256x1xf32>
      %log3A = math.log %broadcast_in_dim3A_41 : vector<256x1xf32>
      %add3A = arith.addf %broadcast_in_dim3A_37, %log3A : vector<256x1xf32>
      %sub3A_42 = arith.subf %add3A, %broadcast_in_dim3A_34 : vector<256x1xf32>
      %iota3A = tpu.iota {dimensions = array<i32: 0>} : vector<256x1xi32>
      %mul3A_43 = arith.constant 256 : i32
      %mul3A_44 = arith.muli %arg1, %mul3A_43 : i32
      %add3A_45 = vector.broadcast %mul3A_44 : i32 to vector<256x1xi32>
      %add3A_46 = arith.addi %add3A_45, %iota3A : vector<256x1xi32>
      %lt3A_47 = vector.broadcast %get3A_4 : i32 to vector<256x1xi32>
      %lt3A_48 = arith.cmpi slt, %add3A_46, %lt3A_47 : vector<256x1xi32>
      %get3A_49 = arith.constant 0 : index
      %get3A_50 = arith.constant 0 : index
      %get3A_51 = vector.load %arg6[%get3A_49, %get3A_50] : memref<256x1xf32, #tpu.memory_space<vmem>>, vector<256x1xf32>
      %jit3A_52 = arith.constant 0.000000e+00 : f32
      %broadcast_in_dim3A_53 = vector.broadcast %jit3A_52 : f32 to vector<256x1xf32>
      %select_n3A_54 = arith.select %lt3A_48, %sub3A_42, %broadcast_in_dim3A_53 : vector<256x1xi1>, vector<256x1xf32>
      %add3A_55 = arith.addf %get3A_51, %select_n3A_54 : vector<256x1xf32>
      %swap3A = arith.constant 0 : index
      %swap3A_56 = arith.constant 0 : index
      %swap3A_57 = vector.load %arg6[%swap3A, %swap3A_56] : memref<256x1xf32, #tpu.memory_space<vmem>>, vector<256x1xf32>
      tpu.vector_store %arg6[%swap3A, %swap3A_56], %add3A_55 {strides = array<i32>} : memref<256x1xf32, #tpu.memory_space<vmem>>, vector<256x1xf32>,
    } else {
    }
    %eq3A_9 = arith.constant 31 : i32
    %eq3A_10 = arith.cmpi eq, %arg0, %eq3A_9 : i32
    %sub3A = arith.constant 1 : i32
    %sub3A_11 = arith.subi %num_programs3A, %sub3A : i32
    %eq3A_12 = arith.cmpi eq, %arg1, %sub3A_11 : i32
    %and3A_13 = arith.andi %eq3A_10, %eq3A_12 : i1
    %convert_element_type3A_14 = arith.extui %and3A_13 : i1 to i32
    %cond3A_15 = arith.constant 0 : i32
    %cond3A_16 = arith.cmpi ne, %convert_element_type3A_14, %cond3A_15 : i32
    scf.if %cond3A_16 {
      %get3A_17 = arith.constant 0 : index
      %get3A_18 = memref.load %arg2[%get3A_17] : memref<32xi32, #tpu.memory_space<smem>>
      %add3A = arith.constant 0 : i32
      %add3A_19 = arith.addi %add3A, %get3A_18 : i32
      %get3A_20 = arith.constant 1 : index
      %get3A_21 = memref.load %arg2[%get3A_20] : memref<32xi32, #tpu.memory_space<smem>>
      %add3A_22 = arith.addi %add3A_19, %get3A_21 : i32
      %get3A_23 = arith.constant 2 : index
      %get3A_24 = memref.load %arg2[%get3A_23] : memref<32xi32, #tpu.memory_space<smem>>
      %add3A_25 = arith.addi %add3A_22, %get3A_24 : i32
      %get3A_26 = arith.constant 3 : index
      %get3A_27 = memref.load %arg2[%get3A_26] : memref<32xi32, #tpu.memory_space<smem>>
      %add3A_28 = arith.addi %add3A_25, %get3A_27 : i32
      %get3A_29 = arith.constant 4 : index
      %get3A_30 = memref.load %arg2[%get3A_29] : memref<32xi32, #tpu.memory_space<smem>>
      %add3A_31 = arith.addi %add3A_28, %get3A_30 : i32
      %get3A_32 = arith.constant 5 : index
      %get3A_33 = memref.load %arg2[%get3A_32] : memref<32xi32, #tpu.memory_space<smem>>
      %add3A_34 = arith.addi %add3A_31, %get3A_33 : i32
      %get3A_35 = arith.constant 6 : index
      %get3A_36 = memref.load %arg2[%get3A_35] : memref<32xi32, #tpu.memory_space<smem>>
      %add3A_37 = arith.addi %add3A_34, %get3A_36 : i32
      %get3A_38 = arith.constant 7 : index
      %get3A_39 = memref.load %arg2[%get3A_38] : memref<32xi32, #tpu.memory_space<smem>>
      %add3A_40 = arith.addi %add3A_37, %get3A_39 : i32
      %get3A_41 = arith.constant 8 : index
      %get3A_42 = memref.load %arg2[%get3A_41] : memref<32xi32, #tpu.memory_space<smem>>
      %add3A_43 = arith.addi %add3A_40, %get3A_42 : i32
      %get3A_44 = arith.constant 9 : index
      %get3A_45 = memref.load %arg2[%get3A_44] : memref<32xi32, #tpu.memory_space<smem>>
      %add3A_46 = arith.addi %add3A_43, %get3A_45 : i32
      %get3A_47 = arith.constant 10 : index
      %get3A_48 = memref.load %arg2[%get3A_47] : memref<32xi32, #tpu.memory_space<smem>>
      %add3A_49 = arith.addi %add3A_46, %get3A_48 : i32
      %get3A_50 = arith.constant 11 : index
      %get3A_51 = memref.load %arg2[%get3A_50] : memref<32xi32, #tpu.memory_space<smem>>
      %add3A_52 = arith.addi %add3A_49, %get3A_51 : i32
      %get3A_53 = arith.constant 12 : index
      %get3A_54 = memref.load %arg2[%get3A_53] : memref<32xi32, #tpu.memory_space<smem>>
      %add3A_55 = arith.addi %add3A_52, %get3A_54 : i32
      %get3A_56 = arith.constant 13 : index
      %get3A_57 = memref.load %arg2[%get3A_56] : memref<32xi32, #tpu.memory_space<smem>>
      %add3A_58 = arith.addi %add3A_55, %get3A_57 : i32
      %get3A_59 = arith.constant 14 : index
      %get3A_60 = memref.load %arg2[%get3A_59] : memref<32xi32, #tpu.memory_space<smem>>
      %add3A_61 = arith.addi %add3A_58, %get3A_60 : i32
      %get3A_62 = arith.constant 15 : index
      %get3A_63 = memref.load %arg2[%get3A_62] : memref<32xi32, #tpu.memory_space<smem>>
      %add3A_64 = arith.addi %add3A_61, %get3A_63 : i32
      %get3A_65 = arith.constant 16 : index
      %get3A_66 = memref.load %arg2[%get3A_65] : memref<32xi32, #tpu.memory_space<smem>>
      %add3A_67 = arith.addi %add3A_64, %get3A_66 : i32
      %get3A_68 = arith.constant 17 : index
      %get3A_69 = memref.load %arg2[%get3A_68] : memref<32xi32, #tpu.memory_space<smem>>
      %add3A_70 = arith.addi %add3A_67, %get3A_69 : i32
      %get3A_71 = arith.constant 18 : index
      %get3A_72 = memref.load %arg2[%get3A_71] : memref<32xi32, #tpu.memory_space<smem>>
      %add3A_73 = arith.addi %add3A_70, %get3A_72 : i32
      %get3A_74 = arith.constant 19 : index
      %get3A_75 = memref.load %arg2[%get3A_74] : memref<32xi32, #tpu.memory_space<smem>>
      %add3A_76 = arith.addi %add3A_73, %get3A_75 : i32
      %get3A_77 = arith.constant 20 : index
      %get3A_78 = memref.load %arg2[%get3A_77] : memref<32xi32, #tpu.memory_space<smem>>
      %add3A_79 = arith.addi %add3A_76, %get3A_78 : i32
      %get3A_80 = arith.constant 21 : index
      %get3A_81 = memref.load %arg2[%get3A_80] : memref<32xi32, #tpu.memory_space<smem>>
      %add3A_82 = arith.addi %add3A_79, %get3A_81 : i32
      %get3A_83 = arith.constant 22 : index
      %get3A_84 = memref.load %arg2[%get3A_83] : memref<32xi32, #tpu.memory_space<smem>>
      %add3A_85 = arith.addi %add3A_82, %get3A_84 : i32
      %get3A_86 = arith.constant 23 : index
      %get3A_87 = memref.load %arg2[%get3A_86] : memref<32xi32, #tpu.memory_space<smem>>
      %add3A_88 = arith.addi %add3A_85, %get3A_87 : i32
      %get3A_89 = arith.constant 24 : index
      %get3A_90 = memref.load %arg2[%get3A_89] : memref<32xi32, #tpu.memory_space<smem>>
      %add3A_91 = arith.addi %add3A_88, %get3A_90 : i32
      %get3A_92 = arith.constant 25 : index
      %get3A_93 = memref.load %arg2[%get3A_92] : memref<32xi32, #tpu.memory_space<smem>>
      %add3A_94 = arith.addi %add3A_91, %get3A_93 : i32
      %get3A_95 = arith.constant 26 : index
      %get3A_96 = memref.load %arg2[%get3A_95] : memref<32xi32, #tpu.memory_space<smem>>
      %add3A_97 = arith.addi %add3A_94, %get3A_96 : i32
      %get3A_98 = arith.constant 27 : index
      %get3A_99 = memref.load %arg2[%get3A_98] : memref<32xi32, #tpu.memory_space<smem>>
      %add3A_100 = arith.addi %add3A_97, %get3A_99 : i32
      %get3A_101 = arith.constant 28 : index
      %get3A_102 = memref.load %arg2[%get3A_101] : memref<32xi32, #tpu.memory_space<smem>>
      %add3A_103 = arith.addi %add3A_100, %get3A_102 : i32
      %get3A_104 = arith.constant 29 : index
      %get3A_105 = memref.load %arg2[%get3A_104] : memref<32xi32, #tpu.memory_space<smem>>
      %add3A_106 = arith.addi %add3A_103, %get3A_105 : i32
      %get3A_107 = arith.constant 30 : index
      %get3A_108 = memref.load %arg2[%get3A_107] : memref<32xi32, #tpu.memory_space<smem>>
      %add3A_109 = arith.addi %add3A_106, %get3A_108 : i32
      %get3A_110 = arith.constant 31 : index
      %get3A_111 = memref.load %arg2[%get3A_110] : memref<32xi32, #tpu.memory_space<smem>>
      %add3A_112 = arith.addi %add3A_109, %get3A_111 : i32
      %get3A_113 = arith.constant 0 : index
      %get3A_114 = arith.constant 0 : index
      %get3A_115 = vector.load %arg6[%get3A_113, %get3A_114] : memref<256x1xf32, #tpu.memory_space<vmem>>, vector<256x1xf32>
      %reduce_sum3A = vector.shape_cast %get3A_115 : vector<256x1xf32> to vector<1x256x1xf32>
      %reduce_sum3A_116 = arith.constant dense<0.000000e+00> : vector<1xf32>
      %reduce_sum3A_117 = vector.multi_reduction <add>, %reduce_sum3A, %reduce_sum3A_116 [1, 2] : vector<1x256x1xf32> to vector<1xf32>
      %reduce_sum3A_118 = vector.shape_cast %reduce_sum3A_117 : vector<1xf32> to vector<1x1x1xf32>
      %reduce_sum3A_119 = vector.extract %reduce_sum3A_118[0, 0, 0] : f32 from vector<1x1x1xf32>
      %broadcast_in_dim3A = vector.broadcast %reduce_sum3A_119 : f32 to vector<1x1xf32>
      %convert_element_type3A_120 = arith.sitofp %add3A_112 : i32 to f32
      %div3A = vector.broadcast %convert_element_type3A_120 : f32 to vector<1x1xf32>
      %div3A_121 = arith.divf %broadcast_in_dim3A, %div3A : vector<1x1xf32>
      %swap3A = arith.constant 0 : index
      %swap3A_122 = arith.constant 0 : index
      %swap3A_123 = vector.load %arg5[%swap3A, %swap3A_122] : memref<1x1xf32, #tpu.memory_space<vmem>>, vector<1x1xf32>
      tpu.vector_store %arg5[%swap3A, %swap3A_122], %div3A_121 {strides = array<i32>} : memref<1x1xf32, #tpu.memory_space<vmem>>, vector<1x1xf32>,
    } else {
    }
    return
  }
  func.func @transform_0(%arg0: i32, %arg1: i32, %arg2: memref<32xi32, #tpu.memory_space<smem>>) -> (i32, i32) {
    %get3A = arith.index_cast %arg0 : i32 to index
    %get3A_0 = memref.load %arg2[%get3A] : memref<32xi32, #tpu.memory_space<smem>>
    %add3A = arith.constant 256 : i32
    %add3A_1 = arith.addi %get3A_0, %add3A : i32
    %sub3A = arith.constant 1 : i32
    %sub3A_2 = arith.subi %add3A_1, %sub3A : i32
    %jit3A = arith.constant 256 : i32
    %div3A = arith.divsi %sub3A_2, %jit3A : i32
    %sign3A = arith.constant 0 : i32
    %sign3A_3 = arith.cmpi sgt, %sub3A_2, %sign3A : i32
    %sign3A_4 = arith.extui %sign3A_3 : i1 to i32
    %sign3A_5 = arith.constant 0 : i32
    %sign3A_6 = arith.cmpi slt, %sub3A_2, %sign3A_5 : i32
    %sign3A_7 = arith.extui %sign3A_6 : i1 to i32
    %sign3A_8 = arith.subi %sign3A_4, %sign3A_7 : i32
    %sign3A_9 = arith.constant 0 : i32
    %sign3A_10 = arith.cmpi sgt, %jit3A, %sign3A_9 : i32
    %sign3A_11 = arith.extui %sign3A_10 : i1 to i32
    %sign3A_12 = arith.constant 0 : i32
    %sign3A_13 = arith.cmpi slt, %jit3A, %sign3A_12 : i32
    %sign3A_14 = arith.extui %sign3A_13 : i1 to i32
    %sign3A_15 = arith.subi %sign3A_11, %sign3A_14 : i32
    %ne3A = arith.cmpi ne, %sign3A_8, %sign3A_15 : i32
    %rem3A = arith.remsi %sub3A_2, %jit3A : i32
    %ne3A_16 = arith.constant 0 : i32
    %ne3A_17 = arith.cmpi ne, %rem3A, %ne3A_16 : i32
    %and3A = arith.andi %ne3A, %ne3A_17 : i1
    %sub3A_18 = arith.constant 1 : i32
    %sub3A_19 = arith.subi %div3A, %sub3A_18 : i32
    %select_n3A = arith.select %and3A, %sub3A_19, %div3A : i32
    %max3A = arith.constant 1 : i32
    %max3A_20 = arith.maxsi %select_n3A, %max3A : i32
    %mul3A = arith.constant 8 : i32
    %mul3A_21 = arith.muli %arg0, %mul3A : i32
    %sub3A_22 = arith.constant 1 : i32
    %sub3A_23 = arith.subi %max3A_20, %sub3A_22 : i32
    %min3A = arith.minsi %arg1, %sub3A_23 : i32
    %add3A_24 = arith.addi %mul3A_21, %min3A : i32
    %c0_i32 = arith.constant 0 : i32
    %c0_i32_25 = arith.constant 0 : i32
    return %add3A_24, %c0_i32 : i32, i32
  }
  func.func @transform_1(%arg0: i32, %arg1: i32, %arg2: memref<32xi32, #tpu.memory_space<smem>>) -> (i32, i32) {
    %c0_i32 = arith.constant 0 : i32
    %c0_i32_0 = arith.constant 0 : i32
    %c0_i32_1 = arith.constant 0 : i32
    return %c0_i32, %c0_i32_0 : i32, i32
  }
  func.func @transform_2(%arg0: i32, %arg1: i32, %arg2: memref<32xi32, #tpu.memory_space<smem>>) -> (i32, i32) {
    %c0_i32 = arith.constant 0 : i32
    %c0_i32_0 = arith.constant 0 : i32
    %c0_i32_1 = arith.constant 0 : i32
    return %c0_i32, %c0_i32_0 : i32, i32
  }
}

</mosaic_0001>

<sc_bundles>
// kernel: _multi_center_loss.4.cloned.1.call-start
scs
__scs_entry_jumppad:
0x0: {  	(pc) =	sbr.rel $0x88, $3  }
0x1: {  	(tag) =	ssettag $0x0;
	lr =	simm.s32 $0x1  }
0x2: {  	[smem:$0x3F9E] =	sst lr;
	_ =	strace $0xD0000000  }
0x3: {  	_ = 	snop  }
0x4: {  	_ = 	snop  }
0x5: {  	_ = 	snop  }
0x6: {  	_ = 	snop  }
0x7: {  	_ = 	snop  }
__scs_overlays_trampoline_lowered:
0x8: {  	[smem:$0x3FAD] =	sst s0  }
0x9: {  	[smem:$0x3FAE] =	sst s1  }
0xa: {  	[smem:$0x3FAF] =	sst s2  }
0xb: {  	[smem:$0x3FB0] =	sst s3  }
0xc: {  	[smem:$0x3FB1] =	sst s4  }
0xd: {  	[smem:$0x3FB2] =	sst s5  }
0xe: {  	[smem:$0x3FB3] =	sst s6  }
0xf: {  	[smem:$0x3FB4] =	sst s7  }
0x10: {  	[smem:$0x3FB5] =	sst s8  }
0x11: {  	[smem:$0x3FB6] =	sst s9;
	s0 =	simm.s32 @!p0 $0x0  }
0x12: {  	s1 =	sld [smem:$0x3F9C];
	s0 =	simm.s32 @p0 $0x1  }
0x13: {  	[smem:$0x3FB7] =	sst s0;
	s0 =	simm.s32 @!p1 $0x0  }
0x14: {  	s2 =	sld [smem:$0x3F9B];
	s0 =	simm.s32 @p1 $0x1  }
0x15: {  	[smem:$0x3FB8] =	sst s0;
	s0 =	simm.s32 @!p2 $0x0  }
0x16: {  	s3 =	sld [smem:$0x3FDB];
	s0 =	simm.s32 @p2 $0x1  }
0x17: {  	s4 =	simm.s32 $0x1BF5;
	[smem:$0x3FBA] =	sst s0  }
0x18: {  	s0 =	sld [smem:$0x3F9D];
	_ =	swait.ge [sflag:s4], $0x0  }
0x19: {  	s7 =	sld [smem:$0x3F9E]  }
0x1a: {  	s8 =	sadd.s32 $0xFFFFE003, lr  }
0x1b: {  	s9 =	sadd.s32 $0xFFFFFEF7, lr;
	s5 =	simm.s32 $0xFFFFFFFF;
	p2 =	slt.u32 s8, $0xFFFFF086  }
0x1c: {  	p1 =	slt.u32 s9, $0xF7A;
	s5 =	simm.s32 @!p2 $0x0  }
0x1d: {  	s5 =	simm.s32 @p1 $0x1;
	p0 =	seq.s32 s7, s2  }
0x1e: {  	s7 =	smul.u32 @!p0 $0xF7A, s2;
	p2 =	seq.s32 @!p0 s5, $0x0  }
0x1f: {  	s9 =	smul.u32 $0xF7A, s1;
	s8 =	simm.s32 @!p0 $0x1BF5;
	p2 =	por !p2, p0  }
0x20: {  	[sflag:s8] =	ssyncset.s32 @!p0 $0xFFFFF086;
	s6 =	sadd.s32 @!p0 s3, s7;
	s7 =	simm.s32 @!p0 $0x108  }
0x21: {  	s3 =	sadd.s32 s3, s9;
	s6 =	sadd.s32 @!p0 $0x88, s6;
	s7 =	simm.s32 @p2 $0x1082  }
0x22: {  	[simem:s7], [sflag:s8] =	dma.local @!p0 [hbm:s6], $0xF7A  }
0x23: {  	s9 =	sor.u32 $0xD0000000, s2;
	s6 =	simm.s32 $0x108;
	_ =	swait.ge @!p0 [sflag:s8], $0x0  }
0x24: {  	s3 =	sadd.s32 $0x88, s3;
	s6 =	simm.s32 @!p1 $0x1082;
	[sflag:s4] =	ssyncset.s32 $0xFFFFF086  }
0x25: {  	[simem:s6], [sflag:s4] =	dma.local [hbm:s3], $0xF7A  }
0x26: {  	[smem:$0x3F9E] =	sst s1;
	(tag) =	ssettag s2;
	_ =	strace s9  }
0x27: {  	s1 =	sld [smem:$0x3FAE]  }
0x28: {  	s2 =	sld [smem:$0x3FAF]  }
0x29: {  	s4 =	sld [smem:$0x3FB1]  }
0x2a: {  	p0 =	seq.s32 s5, $0x0;
	s5 =	sld [smem:$0x3FB2]  }
0x2b: {  	s6 =	sld [smem:$0x3FB3]  }
0x2c: {  	s7 =	sld [smem:$0x3FB4]  }
0x2d: {  	s3 =	simm.s32 $0x108;
	s8 =	sld [smem:$0x3FB5]  }
0x2e: {  	s3 =	simm.s32 @!p0 $0x1082;
	s9 =	sld [smem:$0x3FB6]  }
0x2f: {  	lr =	sadd.s32 s0, s3;
	s0 =	sld [smem:$0x3FAD]  }
0x30: {  	s3 =	sld [smem:$0x3FB0]  }
0x31: {  	[smem:$0x3FB9] =	sst s10  }
0x32: {  	s10 =	sld [smem:$0x3FB7];
	_ =	sdelay $0x3  }
0x33: {  	p0 =	seq.s32 s10, $0x1;
	s10 =	sld [smem:$0x3FB9];
	_ =	sdelay $0x3  }
0x34: {  	[smem:$0x3FB9] =	sst s10  }
0x35: {  	s10 =	sld [smem:$0x3FB8];
	_ =	sdelay $0x3  }
0x36: {  	p1 =	seq.s32 s10, $0x1;
	s10 =	sld [smem:$0x3FB9];
	_ =	sdelay $0x3  }
0x37: {  	[smem:$0x3FB9] =	sst s10  }
0x38: {  	s10 =	sld [smem:$0x3FBA]  }
0x39: {  	_ = 	snop;
	(pc) =	sbr.ind lr, $3  }
0x3a: {  	_ = 	snop  }
0x3b: {  	_ = 	snop  }
0x3c: {  	p2 =	seq.s32 s10, $0x1;
	s10 =	sld [smem:$0x3FB9]  }
0x3d: {  	_ =	shalt  }
0x3e: {  	_ =	shalt  }
0x3f: {  	_ =	shalt  }
0x40: {  	_ =	shalt  }
0x41: {  	_ =	shalt  }
0x42: {  	_ =	shalt  }
0x43: {  	_ =	shalt  }
0x44: {  	_ =	shalt  }
0x45: {  	_ =	shalt  }
0x46: {  	_ =	shalt  }
0x47: {  	_ =	shalt  }
0x48: {  	_ =	shalt  }
0x49: {  	_ =	shalt  }
0x4a: {  	_ =	shalt  }
0x4b: {  	_ =	shalt  }
0x4c: {  	_ =	shalt  }
0x4d: {  	_ =	shalt  }
0x4e: {  	_ =	shalt  }
0x4f: {  	_ =	shalt  }
0x50: {  	_ =	shalt  }
0x51: {  	_ =	shalt  }
0x52: {  	_ =	shalt  }
0x53: {  	_ =	shalt  }
0x54: {  	_ =	shalt  }
0x55: {  	_ =	shalt  }
0x56: {  	_ =	shalt  }
0x57: {  	_ =	shalt  }
0x58: {  	_ =	shalt  }
0x59: {  	_ =	shalt  }
0x5a: {  	_ =	shalt  }
0x5b: {  	_ =	shalt  }
0x5c: {  	_ =	shalt  }
0x5d: {  	_ =	shalt  }
0x5e: {  	_ =	shalt  }
0x5f: {  	_ =	shalt  }
0x60: {  	_ =	shalt  }
0x61: {  	_ =	shalt  }
0x62: {  	_ =	shalt  }
0x63: {  	_ =	shalt  }
0x64: {  	_ =	shalt  }
0x65: {  	_ =	shalt  }
0x66: {  	_ =	shalt  }
0x67: {  	_ =	shalt  }
0x68: {  	_ =	shalt  }
0x69: {  	_ =	shalt  }
0x6a: {  	_ =	shalt  }
0x6b: {  	_ =	shalt  }
0x6c: {  	_ =	shalt  }
0x6d: {  	_ =	shalt  }
0x6e: {  	_ =	shalt  }
0x6f: {  	_ =	shalt  }
0x70: {  	_ =	shalt  }
0x71: {  	_ =	shalt  }
0x72: {  	_ =	shalt  }
0x73: {  	_ =	shalt  }
0x74: {  	_ =	shalt  }
0x75: {  	_ =	shalt  }
0x76: {  	_ =	shalt  }
0x77: {  	_ =	shalt  }
0x78: {  	_ =	shalt  }
0x79: {  	_ =	shalt  }
0x7a: {  	_ =	shalt  }
0x7b: {  	_ =	shalt  }
0x7c: {  	_ =	shalt  }
0x7d: {  	_ =	shalt  }
0x7e: {  	_ =	shalt  }
0x7f: {  	_ =	shalt  }
0x80: {  	_ =	shalt  }
0x81: {  	_ =	shalt  }
0x82: {  	_ =	shalt  }
0x83: {  	_ =	shalt  }
0x84: {  	_ =	shalt  }
0x85: {  	_ =	shalt  }
0x86: {  	_ =	shalt  }
0x87: {  	_ =	shalt  }
.Lfunc_end0:
.L_simem_size_0:
called_computation_lowered:
.L_overlay_start_0:
0x88: {  	s2 =	sld [smem:$0x3FD9]  }
0x89: {  	s3 =	sld [smem:$0x3FFE];
	_ =	sdelay $0x1  }
0x8a: {  	s1 =	srdreg.scid  }
0x8b: {  	s0 =	sand.u32 $0x1, s1  }
0x8c: {  	s17 =	sshll.u32 s0, $0xA;
	s2 =	sadd.s32 s3, s2  }
0x8d: {  	s2 =	sadd.s32 s2, s17  }
0x8e: {  	[smem:$0x3FC5] =	sst s2  }
0x8f: {  	_ = 	snop  }
0x90: {  	s2 =	sld [smem:$0x3FC8];
	(tm) =	ssettm $0x1  }
0x91: {  	s18 =	sld [smem:$0x3FFB];
	_ =	sdelay $0x3  }
0x92: {  	_ =	strace s18  }
0x93: {  	s3 =	sld [smem:$0x3FFC];
	_ =	sdelay $0x3  }
0x94: {  	_ =	strace s3  }
0x95: {  	s3 =	sld [smem:$0x3FFD];
	_ =	sdelay $0x3  }
0x96: {  	_ =	strace s3  }
0x97: {  	_ =	strace $0x8FFFFFFF  }
0x98: {  	s19 =	sld [smem:$0x3FDB];
	_ =	sdelay $0x1  }
0x99: {  	s4 =	simm.s32 $_scs_section_size  }
0x9a: {  	s5 =	simm.s32 $_size__tile_overlayer_lowered;
	s6 =	simm.s32 $_tile_overlayer_lowered  }
0x9b: {  	s22 =	simm.s32 $0x1BFF;
	s21 =	sshll.u32 s6, $0x1;
	s3 =	sadd.s32 s4, s19  }
0x9c: {  	s7 =	simm.s32 $0x0;
	s20 =	sshll.u32 s5, $0x1;
	s5 =	sadd.s32 s21, s3  }
0x9d: {  	[timem:s7], [sflag:s22] =	dma.local [hbm:s5], s20  }
0x9e: {  	_ =	swait.ge [sflag:s22], s20  }
0x9f: {  	s4 =	ssub.s32 $0x0, s20;
	[sflag:s22] =	ssyncset.done $0x0  }
0xa0: {  	[sflag:s22] =	ssyncadd.s32 s4;
	_ =	sdelay $0x1  }
0xa1: {  	s23 =	simm.s32 $0x1B8B  }
0xa2: {  	_ =	swait.ge [sflag:s23], $0x1  }
0xa3: {  	[sflag:s23] =	ssyncset.done $0x0  }
0xa4: {  	s25 =	simm.s32 $0x1B8E;
	s24 =	sld [smem:$0x3FFE];
	[sflag:s23] =	ssyncadd.s32 $0xFFFFFFFF  }
0xa5: {  	s26 =	simm.s32 $execute0_lowered;
	[smem:$0x3FD2] =	sst s25  }
0xa6: {  	s5 =	sshll.u32 s26, $0x1;
	_ =	strace $0x80000046;
	[dreg:$0x1] =	wrdreg $0xFFFFFFFF  }
0xa7: {  	s28 =	simm.s32 $_size_execute0_lowered;
	s3 =	sadd.s32 s3, s5;
	[dreg:$0x0] =	wrdreg $0x0  }
0xa8: {  	s5 =	sshll.u32 s28, $0x1;
	[dreg:$0x2] =	wrdreg s3  }
0xa9: {  	[dreg:$0x3] =	wrdreg s5  }
0xaa: {  	[dreg:$0x4] =	wrdreg $0xC0  }
0xab: {  	_ =	task [dreg:s7], $0x5FFFF  }
0xac: {  	[dreg:$0x1] =	wrdreg $0xFFFFFFFF  }
0xad: {  	[dreg:$0x0] =	wrdreg $0x60  }
0xae: {  	[dreg:$0x2] =	wrdreg s24  }
0xaf: {  	[dreg:$0x3] =	wrdreg s2  }
0xb0: {  	[dreg:$0x4] =	wrdreg $0x9  }
0xb1: {  	_ =	task.clear_ibuf [dreg:s7], $0x5FFFF;
	_ =	strace $0x90000046  }
0xb2: {  	s29 =	simm.s32 $0x9;
	_ =	strace $0x80000048  }
0xb3: {  	_ =	swait.ge [sflag:s29], $0x1  }
0xb4: {  	[sflag:s29] =	ssyncadd.s32 $0xFFFFFFFF  }
0xb5: {  	_ =	strace $0x90000048  }
0xb6: {  	_ =	sfence  }
0xb7: {  	s30 =	sld [smem:$0x0];
	_ =	sdelay $0x2  }
0xb8: {  	s31 =	sshll.u32 s1, $0xD;
	s1 =	sshrl.u32 s1, $0x2  }
0xb9: {  	s3 =	sand.u32 $0x4000, s31;
	s1 =	sadd.s32 s1, s30  }
0xba: {  	s0 =	sor.u32 s3, s0;
	s1 =	sshll.u32 s1, $0x11  }
0xbb: {  	s0 =	sor.u32 s1, s0  }
0xbc: {  	s0 =	sadd.s32 $0x8F2B, s0  }
0xbd: {  	[sflag:s0] =	ssyncadd.remote.s32 $0x1  }
0xbe: {  	_ =	sfence.sel $0xFFFF  }
0xbf: {  	[dreg:$0x0] =	wrdreg $0xFFFFFFFF;
	(pc) =	sbr.abs _section_cstart, $3  }
0xc0: {  	[dreg:$0x1] =	wrdreg $0xFFFFFFFF  }
0xc1: {  	_ =	task.clear_ibuf [dreg:s7], $0x2FFFF;
	_ =	strace $0x9FFFFFFF  }
0xc2: {  	(tm) =	ssettm $0x7FFFFFFF  }
0xc3: {  	_ =	shalt  }
tec
execute0_lowered:
.L_overlay_start_1:
0x0: {  	(tag) =	ssettag $0x1  }
0x1: {  	s5 =	rddreg [dreg:$0x0]  }
0x2: {  	s6 =	rddreg [dreg:$0x1]  }
0x3: {  	s0 =	rddreg [dreg:$0x2]  }
0x4: {  	s2 =	simm.s32 $0x0;
	s3 =	srdreg.scid;
	s1 =	stileid.u32  }
0x5: {  	s14 =	simm.s32 $0x5080;
	s15 =	simm.s32 $0x0;
	[smem:$0x7FF] =	sst s2  }
0x6: {  	s7 =	sand.u32 $0x1, s3;
	s26 =	sshll.u32 s1, $0x1;
	s3 =	sadd.s32 $0x100200, s5  }
0x7: {  	s4 =	sadd.s32 $0x200200, s5;
	s30 =	sshll.u32 s1, $0xC;
	s11 =	sshll.u32 s1, $0x13  }
0x8: {  	_ =	strace $0x80000047;
	s8 =	sor.u32 s7, s26;
	s10 =	ssub.s32 $0x2, s7  }
0x9: {  	s31 =	sshll.u32 s7, $0xB;
	s12 =	sshll.u32 s7, $0x12;
	s9 =	sshll.u32 s8, $0x4  }
.Ltmp0:
0xa: {  	s28 =	sshrl.u32 s10, $0x1;
	s13 =	sshll.u32 s8, $0xB;
	(pc) =	sbr.rel .LBB2_1-.Ltmp0, $4  }
0xb: {  	s29 =	sshll.u32 s8, $0x8;
	s8 =	sor.u32 s31, s30;
	s9 =	sadd.s32 s9, s5  }
0xc: {  	s10 =	ssub.s32 s10, s28;
	s5 =	sadd.s32 s6, s29;
	v1 =	vmov s13;
	s13 =	simm.s32 $0x1080  }
0xd: {  	v0 =	vlaneseq.u32;
	s6 =	sadd.s32 $0x200, s9;
	s7 =	smax.u32 s10, $0x1;
	s9 =	sor.u32 s12, s11  }
0xe: {  	v2 =	vor.u32 $0x80000010, v0;
	v3 =	vor.u32 $0x80000000, v0;
	s10 =	simm.s32 $0x2;
	s11 =	simm.s32 $0x1;
	s12 =	simm.s32 $0x80  }
.LBB2_8:
0xf: {  	[sflag:s10] =	ssyncadd.s32 $0xFFFFC000  }
.LBB2_9:
0x10: {  	s15 =	sadd.s32 $0x1, s15  }
0x11: {  	v4 =	vmov s16;
	p0 =	sne.s32 s15, s7  }
.Ltmp1:
0x12: {  	[tilespmem:$0x5080] =	vst v4;
	(pc) =	sbr.rel @!p0 .LBB2_10-.Ltmp1, $4  }
0x13: {  	[hbm4b:s6+s2] =	stream.linear.scatter [tilespmem:s14], [sflag:$0x2], $0x80, $0x38;
	[tilespmem:$0x5100] =	vst v63  }
0x14: {  	_ =	swait.ge [sflag:s10], $0x80  }
0x15: {  	[sflag:s10] =	ssyncset.done $0x0  }
0x16: {  	[sflag:s10] =	ssyncadd.s32 $0xFFFFFF80  }
.LBB2_1:
0x17: {  	[tilespmem:s2], [sflag:$0x2] =	stream.linear.gather [hbm4b:s5+s2], $0x800, $0x38;
	[tilespmem:$0x5100] =	vst v63  }
0x18: {  	_ =	swait.ge [sflag:s10], $0x800  }
0x19: {  	[sflag:s10] =	ssyncset.done $0x0  }
0x1a: {  	s16 =	simm.s32 $0x0;
	[sflag:s10] =	ssyncadd.s32 $0xFFFFF800  }
.LBB2_2:
0x1b: {  	p0 =	sne.s32 s16, $0x2000  }
.Ltmp2:
0x1c: {  	_ = 	snop;
	(pc) =	sbr.rel @p0 .LBB2_2-.Ltmp2, $3  }
0x1d: {  	_ =	sdelay $0x1  }
0x1e: {  	s17 =	sshra.s32 s16, $0x2  }
0x1f: {  	s16 =	sadd.s32 $0x40, s16;
	[tilespmem:s17+$0x800] =	vst v1  }
0x20: {  	s16 =	simm.s32 $0x0  }
0x21: {  	v4 =	vld [tilespmem:s16+$0x0];
	_ =	sdelay $0x4  }
0x22: {  	vm0 =	veq.s32 v4, $0x1  }
0x23: {  	v4 =	vor.u32 s8, v0;
	v5 =	vsel vm0, v3, v2;
	v6 =	vmpcnt.ones.xlane vm0  }
0x24: {  	(xrf1) =	vsort.ascd.msk.u32 $0xffff, v5, v4  }
0x25: {  	(v2sf) =	vpush v6, $0x0;
	_ =	sdelay $0xc  }
0x26: {  	s16 =	simm.s32 $0x0;
	_, v4, _ =	vpop (xrf1)  }
0x27: {  	s17 =	simm.s32 $0x10;
	[tilespmem:s16+$0x800] =	vst v4  }
0x28: {  	s19 =	simm.s32 $0x80;
	v4 =	vld [tilespmem:s17+$0x0];
	s18 =	spop (v2sf);
	s17 =	smov.u32 s8  }
.LBB2_4:
0x29: {  	s16 =	sadd.s32 s16, s18  }
0x2a: {  	s17 =	sadd.s32 $0x10, s17;
	s18 =	smov.u32 s19;
	s20 =	sadd.s32 $0x40, s19  }
0x2b: {  	p0 =	sne.s32 s19, $0x1FC0;
	_ =	sdelay $0x2  }
0x2c: {  	vm0 =	veq.s32 v4, $0x1  }
0x2d: {  	v4 =	vor.u32 s17, v0;
	v5 =	vsel vm0, v3, v2;
	v6 =	vmpcnt.ones.xlane vm0  }
0x2e: {  	(xrf1) =	vsort.ascd.msk.u32 $0xffff, v5, v4  }
0x2f: {  	(v2sf) =	vpush v6, $0x0;
	_ =	sdelay $0xa  }
.Ltmp3:
0x30: {  	(pc) =	sbr.rel @p0 .LBB2_4-.Ltmp3, $4  }
0x31: {  	_ = 	snop  }
0x32: {  	_, v4, _ =	vpop (xrf1)  }
0x33: {  	s18 =	sshra.s32 s18, $0x2;
	[tilespmem:s16+$0x800] =	vst v4  }
0x34: {  	s19 =	smov.u32 s20;
	v4 =	vld [tilespmem:s18+$0x0];
	s18 =	spop (v2sf)  }
0x35: {  	_ =	sdelay $0x3  }
0x36: {  	vm0 =	veq.s32 v4, $0x1  }
0x37: {  	v4 =	vmpcnt.ones.xlane vm0;
	_ =	sdelay $0x1  }
0x38: {  	(v2sf) =	vpush v4, $0x0;
	_ =	sdelay $0xb  }
0x39: {  	s17 =	sadd.s32 $0x10, s17  }
0x3a: {  	v5 =	vsel vm0, v3, v2;
	v4 =	vor.u32 s17, v0  }
0x3b: {  	(xrf1) =	vsort.ascd.msk.u32 $0xffff, v5, v4  }
0x3c: {  	s28 =	sadd.s32 s16, s18;
	s29 =	spop (v2sf)  }
0x3d: {  	s16 =	sadd.s32 s28, s29  }
0x3e: {  	s30 =	sadd.s32 $0x7F, s16  }
0x3f: {  	s19 =	sand.u32 $0x7F, s30  }
0x40: {  	s31 =	sshra.s32 s30, $0x1F;
	p1 =	slt.s32 s30, $0x1;
	p0 =	sne.s32 s19, $0x0  }
0x41: {  	s19 =	sshrl.u32 s31, $0x19;
	p0 =	por !p1, !p0  }
0x42: {  	s18 =	sadd.s32 s19, s30;
	s19 =	simm.s32 $0x1;
	p0 =	por !p0, !p0  }
0x43: {  	s18 =	sshra.s32 s18, $0x7;
	s19 =	simm.s32 @!p0 $0x0  }
0x44: {  	s18 =	ssub.s32 s18, s19  }
0x45: {  	p0 =	slt.s32 s18, $0x1  }
.Ltmp4:
0x46: {  	_ = 	snop;
	(pc) =	sbr.rel @p0 .LBB2_9-.Ltmp4, $3  }
0x47: {  	_ =	sdelay $0x1  }
0x48: {  	_, v4, _ =	vpop (xrf1)  }
0x49: {  	s17 =	simm.s32 $0x800;
	[tilespmem:s28+$0x800] =	vst v4  }
0x4a: {  	[tilespmem:s13], [sflag:$0x1] =	stream.indirect.gather [hbm4b:s3+s12], $0x80, s17, s12, $0xb8;
	[tilespmem:$0x5100] =	vst v63  }
0x4b: {  	p0 =	sne.s32 s18, $0x1;
	_ =	swait.ge [sflag:s11], $0x4000  }
.Ltmp5:
0x4c: {  	s19 =	sshrl.u32 s9, $0x3;
	[sflag:s11] =	ssyncset.done $0x0;
	(pc) =	sbr.rel @!p0 .LBB2_8-.Ltmp5, $4  }
0x4d: {  	s19 =	sadd.s32 s4, s19;
	[sflag:s11] =	ssyncadd.s32 $0xFFFFC000  }
0x4e: {  	[hbm4b:s19+s2] =	stream.linear.scatter [tilespmem:s13], [sflag:$0x2], $0x4000, $0x38;
	[tilespmem:$0x5100] =	vst v63  }
0x4f: {  	_ =	swait.ge [sflag:s10], $0x4000  }
0x50: {  	s18 =	sadd.s32 $0xFFFFFFFF, s18;
	s19 =	smov.u32 s9;
	[sflag:s10] =	ssyncset.done $0x0  }
.LBB2_7:
0x51: {  	[sflag:s10] =	ssyncadd.s32 $0xFFFFC000;
	s19 =	sadd.s32 $0x4000, s19;
	s17 =	sadd.s32 $0x80, s17  }
0x52: {  	[tilespmem:s13], [sflag:$0x1] =	stream.indirect.gather [hbm4b:s3+s12], $0x80, s17, s12, $0xb8;
	[tilespmem:$0x5100] =	vst v63  }
0x53: {  	p0 =	sne.s32 s18, $0x1;
	s18 =	sadd.s32 $0xFFFFFFFF, s18;
	_ =	swait.ge [sflag:s11], $0x4000  }
.Ltmp6:
0x54: {  	s20 =	sshrl.u32 s19, $0x3;
	[sflag:s11] =	ssyncset.done $0x0;
	(pc) =	sbr.rel @p0 .LBB2_7-.Ltmp6, $4  }
0x55: {  	s20 =	sadd.s32 s4, s20;
	[sflag:s11] =	ssyncadd.s32 $0xFFFFC000  }
0x56: {  	[hbm4b:s20+s2] =	stream.linear.scatter [tilespmem:s13], [sflag:$0x2], $0x4000, $0x38;
	[tilespmem:$0x5100] =	vst v63  }
0x57: {  	_ =	swait.ge [sflag:s10], $0x4000  }
0x58: {  	[sflag:s10] =	ssyncset.done $0x0  }
.Ltmp7:
0x59: {  	_ = 	snop;
	(pc) =	sbr.rel .LBB2_8-.Ltmp7, $1  }
0x5a: {  	_ =	sdelay $0x3  }
.LBB2_10:
0x5b: {  	_ =	sfence.sel $0x180000  }
0x5c: {  	[bflag:$0x0] =	sbarrier.arrive $0xFFFF  }
0x5d: {  	p0 =	sne.s32 s1, $0x0;
	_ =	strace $0x90000047  }
0x5e: {  	s0 =	sadd.s32 @!p0 $0x100000, s0;
	[bflag:$0x2] =	sbarrier.arrive $0xFFFF  }
0x5f: {  	[sflag:s0] =	ssyncadd.tile.s32 @!p0 $0x1;
	_ =	shalt  }
.Lfunc_end2:
_tile_overlayer_lowered:
.L_overlay_start_2:
0x60: {  	(tag) =	ssettag $0x2  }
0x61: {  	s0 =	rddreg [dreg:$0x0];
	s2 =	stileid.u32  }
0x62: {  	s1 =	rddreg [dreg:$0x1];
	p0 =	sne.s32 s2, $0x0  }
0x63: {  	s3 =	rddreg [dreg:$0x2];
	[bflag:$0x3] =	sbarrier.arrive $0xFFFF;
	s2 =	simm.s32 @!p0 $0x1C02  }
0x64: {  	[timem:s3], [sflag:s2] =	dma.local @!p0 [hbm:s0], s1  }
0x65: {  	s0 =	simm.s32 @!p0 $0x2  }
0x66: {  	_ =	swait.ge @!p0 [sflag:s0], s1  }
0x67: {  	s1 =	ssub.s32 @!p0 $0x0, s1;
	[sflag:s0] =	ssyncset.done @!p0 $0x0  }
0x68: {  	[sflag:s0] =	ssyncadd.s32 @!p0 s1  }
0x69: {  	[bflag:$0x3] =	sbarrier.arrive $0xFFFF  }
0x6a: {  	_ =	shalt  }

</sc_bundles>
